<compile_context>
chip_gen: v7x
topology: tpu7x:2x2x1
jax: 0.10.2.dev20260603
libtpu: 0.0.44.dev20260713+nightly
codegen_flags: <defaults>
</compile_context>

<pallas_src>
import functools

import jax
import jax.numpy as jnp
import numpy as np
from jax import lax
from jax.experimental import pallas as pl
from jax.experimental.pallas import tpu as pltpu
from jax.experimental.pallas import tpu_sc as plsc

N_PAD = 10240
ROWS = N_PAD // 16
CHUNK = 128
CH = 80
PH = 2
CHP = CH // PH
E_PAD = 16 * CH * CHUNK
DUMMY = 10200
HALF = 128
NBUF = 2
CHG = 64

_MESH = plsc.VectorSubcoreMesh(core_axis_name="c", subcore_axis_name="s")


def _deg_body(dst_hbm, ones_hbm, zeros_hbm, degc_hbm,
              acc_sh, dst_v, ones_v, dsem):
    c = lax.axis_index("c")
    s = lax.axis_index("s")
    r0 = s * ROWS
    pltpu.sync_copy(zeros_hbm.at[pl.ds(r0, ROWS)], acc_sh.at[pl.ds(r0, ROWS)])
    pltpu.sync_copy(dst_hbm.at[PH * s + c], dst_v)
    pltpu.sync_copy(ones_hbm, ones_v)
    plsc.subcore_barrier()

    @pl.loop(0, CHP)
    def _(j):
        pltpu.async_copy(ones_v, acc_sh.at[dst_v.at[j]], dsem, add=True)

    @pl.loop(0, CHP)
    def _(j):
        pltpu.make_async_copy(ones_v, acc_sh.at[dst_v.at[j]], dsem).wait()

    plsc.subcore_barrier()
    pltpu.sync_copy(acc_sh.at[pl.ds(r0, ROWS)],
                    degc_hbm.at[pl.ds(c * N_PAD + r0, ROWS)])


@jax.jit
def _sc_degrees(dst_p, ones16, zeros16):
    k = pl.kernel(
        _deg_body,
        out_type=jax.ShapeDtypeStruct((2 * N_PAD, 16), jnp.float32),
        mesh=_MESH,
        scratch_types=[
            pltpu.VMEM_SHARED((N_PAD, 16), jnp.float32),
            pltpu.VMEM((CHP, CHUNK), jnp.int32),
            pltpu.VMEM((CHUNK, 16), jnp.float32),
            pltpu.SemaphoreType.DMA,
        ],
    )
    return k(dst_p, ones16, zeros16)


def _mp_body(ga_hbm, gb_hbm, src_hbm, dst_hbm, outa_hbm, outb_hbm,
             acc_sh, src_v, dst_v, buf, gsem):
    c = lax.axis_index("c")
    s = lax.axis_index("s")
    r0 = s * ROWS

    def init(g_hbm):
        pltpu.sync_copy(g_hbm.at[pl.ds(r0, ROWS)], acc_sh.at[pl.ds(r0, ROWS)])

    @pl.when(c == 0)
    def _():
        init(ga_hbm)

    @pl.when(c == 1)
    def _():
        init(gb_hbm)

    plsc.subcore_barrier()

    def edge_loop(g_hbm):
        def wait_g(j, b):
            pltpu.make_async_copy(
                g_hbm.at[src_v.at[j]], buf.at[b], gsem.at[b]).wait()

        def sync_s(j, b):
            pltpu.sync_copy(buf.at[b], acc_sh.at[dst_v.at[j]], add=True)

        def fire_g(j, b):
            pltpu.async_copy(g_hbm.at[src_v.at[j]], buf.at[b], gsem.at[b])

        for p in range(PH):
            pltpu.sync_copy(src_hbm.at[PH * s + p], src_v)
            pltpu.sync_copy(dst_hbm.at[PH * s + p], dst_v)
            fire_g(0, 0)
            fire_g(1, 1)

            @pl.loop(0, CHP - 2, step=2)
            def _(jb):
                wait_g(jb, 0)
                sync_s(jb, 0)
                fire_g(jb + 2, 0)
                wait_g(jb + 1, 1)
                sync_s(jb + 1, 1)
                fire_g(jb + 3, 1)

            wait_g(CHP - 2, 0)
            sync_s(CHP - 2, 0)
            wait_g(CHP - 1, 1)
            sync_s(CHP - 1, 1)

    @pl.when(c == 0)
    def _():
        edge_loop(ga_hbm)

    @pl.when(c == 1)
    def _():
        edge_loop(gb_hbm)

    plsc.subcore_barrier()

    @pl.when(c == 0)
    def _():
        pltpu.sync_copy(acc_sh.at[pl.ds(r0, ROWS)], outa_hbm.at[pl.ds(r0, ROWS)])

    @pl.when(c == 1)
    def _():
        pltpu.sync_copy(acc_sh.at[pl.ds(r0, ROWS)], outb_hbm.at[pl.ds(r0, ROWS)])


@jax.jit
def _sc_message_pass(ga, gb, src_p, dst_p):
    k = pl.kernel(
        _mp_body,
        out_type=(jax.ShapeDtypeStruct((N_PAD, HALF), jnp.float32),
                  jax.ShapeDtypeStruct((N_PAD, HALF), jnp.float32)),
        mesh=_MESH,
        scratch_types=[
            pltpu.VMEM_SHARED((N_PAD, HALF), jnp.float32),
            pltpu.VMEM((CHP, CHUNK), jnp.int32),
            pltpu.VMEM((CHP, CHUNK), jnp.int32),
            pltpu.VMEM((NBUF, CHUNK, HALF), jnp.float32),
            pltpu.SemaphoreType.DMA((NBUF,)),
        ],
    )
    return k(ga, gb, src_p, dst_p)


_BR = 512
_HIGH = jax.lax.Precision.HIGHEST


def _dinv_of(d0_ref, d1_ref):
    deg = d0_ref[:, :1] + d1_ref[:, :1] + 1.0
    return jax.lax.rsqrt(deg)


def _tc1_body(x_ref, w1_ref, d0_ref, d1_ref, ga_ref, gb_ref):
    dinv = _dinv_of(d0_ref, d1_ref)
    h = jnp.dot(x_ref[...], w1_ref[...], precision=_HIGH)
    g = h * dinv
    ga_ref[...] = g[:, :HALF]
    gb_ref[...] = g[:, HALF:]


def _tc2_body(aa_ref, ab_ref, d0_ref, d1_ref, b1_ref, w2_ref, ga_ref, gb_ref):
    dinv = _dinv_of(d0_ref, d1_ref)
    acc = jnp.concatenate([aa_ref[...], ab_ref[...]], axis=1)
    z = jnp.maximum(acc * dinv + b1_ref[...], 0.0)
    h = jnp.dot(z, w2_ref[...], precision=_HIGH)
    g = h * dinv
    ga_ref[...] = g[:, :HALF]
    gb_ref[...] = g[:, HALF:]


def _tc3_body(aa_ref, ab_ref, d0_ref, d1_ref, b2_ref, out_ref):
    dinv = _dinv_of(d0_ref, d1_ref)
    acc = jnp.concatenate([aa_ref[...], ab_ref[...]], axis=1)
    out_ref[...] = acc * dinv + b2_ref[...]


def _row_spec(w):
    return pl.BlockSpec((_BR, w), lambda i: (i, 0))


def _full_spec(shape):
    return pl.BlockSpec(shape, lambda i: (0,) * len(shape))


@jax.jit
def _tc1(x_pad, w1, d0, d1):
    return pl.pallas_call(
        _tc1_body,
        grid=(N_PAD // _BR,),
        in_specs=[_row_spec(256), _full_spec((256, 256)),
                  _row_spec(16), _row_spec(16)],
        out_specs=(_row_spec(HALF), _row_spec(HALF)),
        out_shape=(jax.ShapeDtypeStruct((N_PAD, HALF), jnp.float32),
                   jax.ShapeDtypeStruct((N_PAD, HALF), jnp.float32)),
    )(x_pad, w1, d0, d1)


@jax.jit
def _tc2(aa, ab, d0, d1, b1, w2):
    return pl.pallas_call(
        _tc2_body,
        grid=(N_PAD // _BR,),
        in_specs=[_row_spec(HALF), _row_spec(HALF),
                  _row_spec(16), _row_spec(16),
                  _full_spec((1, 256)), _full_spec((256, 256))],
        out_specs=(_row_spec(HALF), _row_spec(HALF)),
        out_shape=(jax.ShapeDtypeStruct((N_PAD, HALF), jnp.float32),
                   jax.ShapeDtypeStruct((N_PAD, HALF), jnp.float32)),
    )(aa, ab, d0, d1, b1, w2)


@jax.jit
def _tc3(aa, ab, d0, d1, b2):
    br = 400
    spec = lambda w: pl.BlockSpec((br, w), lambda i: (i, 0))
    return pl.pallas_call(
        _tc3_body,
        grid=(10000 // br,),
        in_specs=[spec(HALF), spec(HALF),
                  spec(16), spec(16), _full_spec((1, 256))],
        out_specs=spec(256),
        out_shape=jax.ShapeDtypeStruct((10000, 256), jnp.float32),
    )(aa, ab, d0, d1, b2)


def kernel(x, edge_index, W1, b1, W2, b2):
    n, d = x.shape
    e = edge_index.shape[1]

    src = edge_index[0].astype(jnp.int32)
    dst = edge_index[1].astype(jnp.int32)
    pad = E_PAD - e
    src_p = jnp.concatenate(
        [src, jnp.zeros((pad,), jnp.int32)]).reshape(16 * PH, CHP, CHUNK)
    dst_p = jnp.concatenate(
        [dst, jnp.full((pad,), DUMMY, jnp.int32)]).reshape(16 * PH, CHP, CHUNK)

    x_pad = jnp.pad(x, ((0, N_PAD - n), (0, 0)))
    ones16 = jnp.asarray(np.eye(CHUNK, 16, dtype=np.float32))
    zeros16 = jnp.zeros((N_PAD, 16), jnp.float32)

    degc = _sc_degrees(dst_p, ones16, zeros16)
    d0, d1 = degc[:N_PAD], degc[N_PAD:]

    ga1, gb1 = _tc1(x_pad, W1, d0, d1)
    aa1, ab1 = _sc_message_pass(ga1, gb1, src_p, dst_p)
    ga2, gb2 = _tc2(aa1, ab1, d0, d1, b1.reshape(1, 256), W2)
    aa2, ab2 = _sc_message_pass(ga2, gb2, src_p, dst_p)
    return _tc3(aa2, ab2, d0, d1, b2.reshape(1, 256))

# --- scband reference (transcript-rebuilt; emitter-appended) ---
"""Pipeline reference for scband-gnnencoder-64991445123647 (READ-ONLY COPY).

The authoritative reference and input builder live on the scoring server;
editing this copy changes nothing except your own understanding.
"""

import jax, jax.numpy as jnp
import numpy as np

N_NODES = 10000
N_EDGES = 160000
IN_DIM = 256
HID_DIM = 256


def _gcn_conv(x, src, dst, W, b, num_nodes):
    # add self loops
    loop = jnp.arange(num_nodes, dtype=src.dtype)
    src_f = jnp.concatenate([src, loop])
    dst_f = jnp.concatenate([dst, loop])
    # symmetric normalization (GCN): deg computed on dst with self-loops
    deg = jnp.zeros((num_nodes,), dtype=x.dtype).at[dst_f].add(1.0)
    deg_inv_sqrt = jnp.where(deg > 0, deg ** -0.5, 0.0)
    norm = deg_inv_sqrt[src_f] * deg_inv_sqrt[dst_f]
    h = x @ W
    msg = h[src_f] * norm[:, None]
    out = jnp.zeros((num_nodes, W.shape[1]), dtype=x.dtype).at[dst_f].add(msg)
    return out + b


def setup_inputs(seed: int = 0) -> dict:
    key = jax.random.key(seed)
    k1, k2, k3, k4, k5, k6 = jax.random.split(key, 6)
    x = jax.random.normal(k1, (N_NODES, IN_DIM), dtype=jnp.float32)
    edge_index = jax.random.randint(k2, (2, N_EDGES), 0, N_NODES, dtype=jnp.int64)
    s1 = (1.0 / np.sqrt(IN_DIM)).astype(np.float32) if isinstance(np.sqrt(IN_DIM), np.ndarray) else np.float32(1.0 / np.sqrt(IN_DIM))
    s2 = np.float32(1.0 / np.sqrt(HID_DIM))
    W1 = jax.random.uniform(k3, (IN_DIM, HID_DIM), dtype=jnp.float32, minval=-s1, maxval=s1)
    b1 = jnp.zeros((HID_DIM,), dtype=jnp.float32)
    W2 = jax.random.uniform(k4, (HID_DIM, HID_DIM), dtype=jnp.float32, minval=-s2, maxval=s2)
    b2 = jnp.zeros((HID_DIM,), dtype=jnp.float32)
    return {"x": x, "edge_index": edge_index, "W1": W1, "b1": b1, "W2": W2, "b2": b2}


def reference(x, edge_index, W1, b1, W2, b2):
    num_nodes = x.shape[0]
    src = edge_index[0]
    dst = edge_index[1]
    h = _gcn_conv(x, src, dst, W1, b1, num_nodes)
    h = jax.nn.relu(h)
    out = _gcn_conv(h, src, dst, W2, b2, num_nodes)
    return out

if __name__ == "__main__":
    import jax
    _d = setup_inputs()
    print(jax.jit(kernel)(*tuple(_d.values())))

</pallas_src>

<mosaic_0001>
#map = affine_map<(d0, d1) -> (0, 0, 0)>
#map1 = affine_map<(d0, d1) -> (0, 0)>
module attributes {stable_mosaic.version = 14 : i64} {
  func.func @_deg_body(%arg0: i32, %arg1: i32, %arg2: memref<32x40x128xi32, #tpu.memory_space<hbm>>, %arg3: memref<128x16xf32, #tpu.memory_space<hbm>>, %arg4: memref<10240x16xf32, #tpu.memory_space<hbm>>, %arg5: memref<20480x16xf32, #tpu.memory_space<hbm>>, %arg6: memref<10240x16xf32, #tpu.memory_space<vmem_shared>>, %arg7: memref<40x128xi32, #tpu.memory_space<vmem>>, %arg8: memref<128x16xf32, #tpu.memory_space<vmem>>, %arg9: memref<!tpu.dma_semaphore, #tpu.memory_space<semaphore_mem>>) attributes {dimension_semantics = [#tpu.dimension_semantics<core_parallel>, #tpu.dimension_semantics<subcore_parallel>], iteration_bounds = array<i64: 2, 16>, scalar_prefetch = 0 : i64, scratch_operands = 4 : i64, tpu.core_type = #tpu.core_type<sc_vector_subcore>, window_params = [{transform_indices = #map}, {transform_indices = #map1}, {transform_indices = #map1}, {transform_indices = #map1}]} {
    %mul3A = arith.constant 640 : i32
    %mul3A_0 = arith.muli %arg1, %mul3A : i32
    "tpu.region"() ({
      %run_scoped3A = tpu.sem_alloc : memref<!tpu.dma_semaphore, #tpu.memory_space<semaphore_mem>>
      %dma_start3A = arith.constant 0 : i32
      %dma_start3A_16 = tpu.memref_slice %arg6[%mul3A_0, %dma_start3A] : memref<10240x16xf32, #tpu.memory_space<vmem_shared>> -> memref<640x16xf32, #tpu.memory_space<vmem_shared>>
      %dma_start3A_17 = arith.constant 0 : i32
      %dma_start3A_18 = tpu.memref_slice %arg4[%mul3A_0, %dma_start3A_17] : memref<10240x16xf32, #tpu.memory_space<hbm>> -> memref<640x16xf32, #tpu.memory_space<hbm>>
      tpu.enqueue_dma source(%dma_start3A_18 : memref<640x16xf32, #tpu.memory_space<hbm>>) target(%dma_start3A_16 : memref<640x16xf32, #tpu.memory_space<vmem_shared>>) target_semaphore(%run_scoped3A : memref<!tpu.dma_semaphore, #tpu.memory_space<semaphore_mem>>)
      %dma_wait3A = arith.constant 0 : i32
      %dma_wait3A_19 = tpu.memref_slice %arg6[%mul3A_0, %dma_wait3A] : memref<10240x16xf32, #tpu.memory_space<vmem_shared>> -> memref<640x16xf32, #tpu.memory_space<vmem_shared>>
      %dma_wait3A_20 = arith.constant 0 : i32
      %dma_wait3A_21 = tpu.memref_slice %arg4[%mul3A_0, %dma_wait3A_20] : memref<10240x16xf32, #tpu.memory_space<hbm>> -> memref<640x16xf32, #tpu.memory_space<hbm>>
      tpu.wait_dma2 semaphore(%run_scoped3A : memref<!tpu.dma_semaphore, #tpu.memory_space<semaphore_mem>>) src(%dma_wait3A_21 : memref<640x16xf32, #tpu.memory_space<hbm>>) dst(%dma_wait3A_19 : memref<640x16xf32, #tpu.memory_space<vmem_shared>>)
      tpu.yield
    }) : () -> ()
    %mul3A_1 = arith.constant 2 : i32
    %mul3A_2 = arith.muli %mul3A_1, %arg1 : i32
    %add3A = arith.addi %mul3A_2, %arg0 : i32
    "tpu.region"() ({
      %run_scoped3A = tpu.sem_alloc : memref<!tpu.dma_semaphore, #tpu.memory_space<semaphore_mem>>
      %dma_start3A = arith.constant 0 : i32
      %dma_start3A_16 = arith.constant 0 : i32
      %dma_start3A_17 = tpu.memref_slice %arg2[%add3A, %dma_start3A, %dma_start3A_16] : memref<32x40x128xi32, #tpu.memory_space<hbm>> -> memref<1x40x128xi32, #tpu.memory_space<hbm>>
      %dma_start3A_18 = tpu.memref_squeeze %dma_start3A_17 : memref<1x40x128xi32, #tpu.memory_space<hbm>> -> memref<40x128xi32, #tpu.memory_space<hbm>>
      %dma_start3A_19 = arith.constant 0 : i32
      %dma_start3A_20 = arith.constant 0 : i32
      %dma_start3A_21 = tpu.memref_slice %arg2[%add3A, %dma_start3A_19, %dma_start3A_20] : memref<32x40x128xi32, #tpu.memory_space<hbm>> -> memref<1x40x128xi32, #tpu.memory_space<hbm>>
      %dma_start3A_22 = tpu.memref_squeeze %dma_start3A_21 : memref<1x40x128xi32, #tpu.memory_space<hbm>> -> memref<40x128xi32, #tpu.memory_space<hbm>>
      tpu.enqueue_dma source(%dma_start3A_22 : memref<40x128xi32, #tpu.memory_space<hbm>>) target(%arg7 : memref<40x128xi32, #tpu.memory_space<vmem>>) target_semaphore(%run_scoped3A : memref<!tpu.dma_semaphore, #tpu.memory_space<semaphore_mem>>)
      %dma_wait3A = arith.constant 0 : i32
      %dma_wait3A_23 = arith.constant 0 : i32
      %dma_wait3A_24 = tpu.memref_slice %arg2[%add3A, %dma_wait3A, %dma_wait3A_23] : memref<32x40x128xi32, #tpu.memory_space<hbm>> -> memref<1x40x128xi32, #tpu.memory_space<hbm>>
      %dma_wait3A_25 = tpu.memref_squeeze %dma_wait3A_24 : memref<1x40x128xi32, #tpu.memory_space<hbm>> -> memref<40x128xi32, #tpu.memory_space<hbm>>
      %dma_wait3A_26 = arith.constant 0 : i32
      %dma_wait3A_27 = arith.constant 0 : i32
      %dma_wait3A_28 = tpu.memref_slice %arg2[%add3A, %dma_wait3A_26, %dma_wait3A_27] : memref<32x40x128xi32, #tpu.memory_space<hbm>> -> memref<1x40x128xi32, #tpu.memory_space<hbm>>
      %dma_wait3A_29 = tpu.memref_squeeze %dma_wait3A_28 : memref<1x40x128xi32, #tpu.memory_space<hbm>> -> memref<40x128xi32, #tpu.memory_space<hbm>>
      tpu.wait_dma2 semaphore(%run_scoped3A : memref<!tpu.dma_semaphore, #tpu.memory_space<semaphore_mem>>) src(%dma_wait3A_29 : memref<40x128xi32, #tpu.memory_space<hbm>>) dst(%arg7 : memref<40x128xi32, #tpu.memory_space<vmem>>)
      tpu.yield
    }) : () -> ()
    "tpu.region"() ({
      %run_scoped3A = tpu.sem_alloc : memref<!tpu.dma_semaphore, #tpu.memory_space<semaphore_mem>>
      tpu.enqueue_dma source(%arg3 : memref<128x16xf32, #tpu.memory_space<hbm>>) target(%arg8 : memref<128x16xf32, #tpu.memory_space<vmem>>) target_semaphore(%run_scoped3A : memref<!tpu.dma_semaphore, #tpu.memory_space<semaphore_mem>>)
      tpu.wait_dma2 semaphore(%run_scoped3A : memref<!tpu.dma_semaphore, #tpu.memory_space<semaphore_mem>>) src(%arg3 : memref<128x16xf32, #tpu.memory_space<hbm>>) dst(%arg8 : memref<128x16xf32, #tpu.memory_space<vmem>>)
      tpu.yield
    }) : () -> ()
    %barrier3A = arith.constant 0 : index
    tpu.barrier barrier_id(%barrier3A)
    %scan3A = arith.constant 0 : i32
    %scan3A_3 = arith.constant 40 : i32
    %scan3A_4 = arith.addi %scan3A, %scan3A_3 : i32
    %scan3A_5 = arith.constant 1 : i32
    scf.for %scan3A_16 = %scan3A to %scan3A_4 step %scan3A_5  : i32 {
      %mul3A_17 = arith.constant 1 : i32
      %mul3A_18 = arith.muli %scan3A_16, %mul3A_17 : i32
      %add3A_19 = arith.constant 0 : i32
      %add3A_20 = arith.addi %add3A_19, %mul3A_18 : i32
      %dma_start3A = arith.constant 0 : i32
      %dma_start3A_21 = tpu.memref_slice %arg7[%add3A_20, %dma_start3A] : memref<40x128xi32, #tpu.memory_space<vmem>> -> memref<1x128xi32, #tpu.memory_space<vmem>>
      %dma_start3A_22 = tpu.memref_squeeze %dma_start3A_21 : memref<1x128xi32, #tpu.memory_space<vmem>> -> memref<128xi32, #tpu.memory_space<vmem>>
      %dma_start3A_23 = arith.constant 0 : i32
      %dma_start3A_24 = arith.constant 0 : i32
      %dma_start3A_25 = tpu.memref_slice %arg6[%dma_start3A_23, %dma_start3A_24] : memref<10240x16xf32, #tpu.memory_space<vmem_shared>> -> memref<10240x16xf32, #tpu.memory_space<vmem_shared>>
      tpu.enqueue_indirect_dma source(%arg8 : memref<128x16xf32, #tpu.memory_space<vmem>>) target(%dma_start3A_25 : memref<10240x16xf32, #tpu.memory_space<vmem_shared>>) offsets(%dma_start3A_22 : memref<128xi32, #tpu.memory_space<vmem>>) semaphore(%arg9 : memref<!tpu.dma_semaphore, #tpu.memory_space<semaphore_mem>>) {add = true}
    }
    %scan3A_6 = arith.constant 40 : i32
    %scan3A_7 = arith.constant 0 : i32
    %scan3A_8 = arith.constant 40 : i32
    %scan3A_9 = arith.addi %scan3A_7, %scan3A_8 : i32
    %scan3A_10 = arith.constant 1 : i32
    scf.for %scan3A_16 = %scan3A_7 to %scan3A_9 step %scan3A_10  : i32 {
      %mul3A_17 = arith.constant 1 : i32
      %mul3A_18 = arith.muli %scan3A_16, %mul3A_17 : i32
      %add3A_19 = arith.constant 0 : i32
      %add3A_20 = arith.addi %add3A_19, %mul3A_18 : i32
      %dma_wait3A = arith.constant 0 : i32
      %dma_wait3A_21 = tpu.memref_slice %arg7[%add3A_20, %dma_wait3A] : memref<40x128xi32, #tpu.memory_space<vmem>> -> memref<1x128xi32, #tpu.memory_space<vmem>>
      %dma_wait3A_22 = tpu.memref_squeeze %dma_wait3A_21 : memref<1x128xi32, #tpu.memory_space<vmem>> -> memref<128xi32, #tpu.memory_space<vmem>>
      %dma_wait3A_23 = arith.constant 0 : i32
      %dma_wait3A_24 = arith.constant 0 : i32
      %dma_wait3A_25 = tpu.memref_slice %arg6[%dma_wait3A_23, %dma_wait3A_24] : memref<10240x16xf32, #tpu.memory_space<vmem_shared>> -> memref<10240x16xf32, #tpu.memory_space<vmem_shared>>
      tpu.wait_indirect_dma semaphore(%arg9 : memref<!tpu.dma_semaphore, #tpu.memory_space<semaphore_mem>>) src(%arg8 : memref<128x16xf32, #tpu.memory_space<vmem>>) dst(%dma_wait3A_25 : memref<10240x16xf32, #tpu.memory_space<vmem_shared>>)
    }
    %scan3A_11 = arith.constant 40 : i32
    %barrier3A_12 = arith.constant 0 : index
    tpu.barrier barrier_id(%barrier3A_12)
    %mul3A_13 = arith.constant 10240 : i32
    %mul3A_14 = arith.muli %arg0, %mul3A_13 : i32
    %add3A_15 = arith.addi %mul3A_14, %mul3A_0 : i32
    "tpu.region"() ({
      %run_scoped3A = tpu.sem_alloc : memref<!tpu.dma_semaphore, #tpu.memory_space<semaphore_mem>>
      %dma_start3A = arith.constant 0 : i32
      %dma_start3A_16 = tpu.memref_slice %arg5[%add3A_15, %dma_start3A] : memref<20480x16xf32, #tpu.memory_space<hbm>> -> memref<640x16xf32, #tpu.memory_space<hbm>>
      %dma_start3A_17 = arith.constant 0 : i32
      %dma_start3A_18 = tpu.memref_slice %arg6[%mul3A_0, %dma_start3A_17] : memref<10240x16xf32, #tpu.memory_space<vmem_shared>> -> memref<640x16xf32, #tpu.memory_space<vmem_shared>>
      tpu.enqueue_dma source(%dma_start3A_18 : memref<640x16xf32, #tpu.memory_space<vmem_shared>>) target(%dma_start3A_16 : memref<640x16xf32, #tpu.memory_space<hbm>>) target_semaphore(%run_scoped3A : memref<!tpu.dma_semaphore, #tpu.memory_space<semaphore_mem>>)
      %dma_wait3A = arith.constant 0 : i32
      %dma_wait3A_19 = tpu.memref_slice %arg5[%add3A_15, %dma_wait3A] : memref<20480x16xf32, #tpu.memory_space<hbm>> -> memref<640x16xf32, #tpu.memory_space<hbm>>
      %dma_wait3A_20 = arith.constant 0 : i32
      %dma_wait3A_21 = tpu.memref_slice %arg6[%mul3A_0, %dma_wait3A_20] : memref<10240x16xf32, #tpu.memory_space<vmem_shared>> -> memref<640x16xf32, #tpu.memory_space<vmem_shared>>
      tpu.wait_dma2 semaphore(%run_scoped3A : memref<!tpu.dma_semaphore, #tpu.memory_space<semaphore_mem>>) src(%dma_wait3A_21 : memref<640x16xf32, #tpu.memory_space<vmem_shared>>) dst(%dma_wait3A_19 : memref<640x16xf32, #tpu.memory_space<hbm>>)
      tpu.yield
    }) : () -> ()
    return
  }
}

</mosaic_0001>

<sc_bundles>
// kernel: _sc_degrees.3.cloned.1.call-start
scs
__scs_entry_jumppad:
0x0: {  	(pc) =	sbr.rel $0x88, $3  }
0x1: {  	(tag) =	ssettag $0x0;
	lr =	simm.s32 $0x1  }
0x2: {  	[smem:$0x3F9E] =	sst lr;
	_ =	strace $0xD0000000  }
0x3: {  	_ = 	snop  }
0x4: {  	_ = 	snop  }
0x5: {  	_ = 	snop  }
0x6: {  	_ = 	snop  }
0x7: {  	_ = 	snop  }
__scs_overlays_trampoline_lowered:
0x8: {  	[smem:$0x3FAD] =	sst s0  }
0x9: {  	[smem:$0x3FAE] =	sst s1  }
0xa: {  	[smem:$0x3FAF] =	sst s2  }
0xb: {  	[smem:$0x3FB0] =	sst s3  }
0xc: {  	[smem:$0x3FB1] =	sst s4  }
0xd: {  	[smem:$0x3FB2] =	sst s5  }
0xe: {  	[smem:$0x3FB3] =	sst s6  }
0xf: {  	[smem:$0x3FB4] =	sst s7  }
0x10: {  	[smem:$0x3FB5] =	sst s8  }
0x11: {  	[smem:$0x3FB6] =	sst s9;
	s0 =	simm.s32 @!p0 $0x0  }
0x12: {  	s1 =	sld [smem:$0x3F9C];
	s0 =	simm.s32 @p0 $0x1  }
0x13: {  	[smem:$0x3FB7] =	sst s0;
	s0 =	simm.s32 @!p1 $0x0  }
0x14: {  	s2 =	sld [smem:$0x3F9B];
	s0 =	simm.s32 @p1 $0x1  }
0x15: {  	[smem:$0x3FB8] =	sst s0;
	s0 =	simm.s32 @!p2 $0x0  }
0x16: {  	s3 =	sld [smem:$0x3FDB];
	s0 =	simm.s32 @p2 $0x1  }
0x17: {  	s4 =	simm.s32 $0x1BF5;
	[smem:$0x3FBA] =	sst s0  }
0x18: {  	s0 =	sld [smem:$0x3F9D];
	_ =	swait.ge [sflag:s4], $0x0  }
0x19: {  	s7 =	sld [smem:$0x3F9E]  }
0x1a: {  	s8 =	sadd.s32 $0xFFFFE003, lr  }
0x1b: {  	s9 =	sadd.s32 $0xFFFFFEF7, lr;
	s5 =	simm.s32 $0xFFFFFFFF;
	p2 =	slt.u32 s8, $0xFFFFF086  }
0x1c: {  	p1 =	slt.u32 s9, $0xF7A;
	s5 =	simm.s32 @!p2 $0x0  }
0x1d: {  	s5 =	simm.s32 @p1 $0x1;
	p0 =	seq.s32 s7, s2  }
0x1e: {  	s7 =	smul.u32 @!p0 $0xF7A, s2;
	p2 =	seq.s32 @!p0 s5, $0x0  }
0x1f: {  	s9 =	smul.u32 $0xF7A, s1;
	s8 =	simm.s32 @!p0 $0x1BF5;
	p2 =	por !p2, p0  }
0x20: {  	[sflag:s8] =	ssyncset.s32 @!p0 $0xFFFFF086;
	s6 =	sadd.s32 @!p0 s3, s7;
	s7 =	simm.s32 @!p0 $0x108  }
0x21: {  	s3 =	sadd.s32 s3, s9;
	s6 =	sadd.s32 @!p0 $0x88, s6;
	s7 =	simm.s32 @p2 $0x1082  }
0x22: {  	[simem:s7], [sflag:s8] =	dma.local @!p0 [hbm:s6], $0xF7A  }
0x23: {  	s9 =	sor.u32 $0xD0000000, s2;
	s6 =	simm.s32 $0x108;
	_ =	swait.ge @!p0 [sflag:s8], $0x0  }
0x24: {  	s3 =	sadd.s32 $0x88, s3;
	s6 =	simm.s32 @!p1 $0x1082;
	[sflag:s4] =	ssyncset.s32 $0xFFFFF086  }
0x25: {  	[simem:s6], [sflag:s4] =	dma.local [hbm:s3], $0xF7A  }
0x26: {  	[smem:$0x3F9E] =	sst s1;
	(tag) =	ssettag s2;
	_ =	strace s9  }
0x27: {  	s1 =	sld [smem:$0x3FAE]  }
0x28: {  	s2 =	sld [smem:$0x3FAF]  }
0x29: {  	s4 =	sld [smem:$0x3FB1]  }
0x2a: {  	p0 =	seq.s32 s5, $0x0;
	s5 =	sld [smem:$0x3FB2]  }
0x2b: {  	s6 =	sld [smem:$0x3FB3]  }
0x2c: {  	s7 =	sld [smem:$0x3FB4]  }
0x2d: {  	s3 =	simm.s32 $0x108;
	s8 =	sld [smem:$0x3FB5]  }
0x2e: {  	s3 =	simm.s32 @!p0 $0x1082;
	s9 =	sld [smem:$0x3FB6]  }
0x2f: {  	lr =	sadd.s32 s0, s3;
	s0 =	sld [smem:$0x3FAD]  }
0x30: {  	s3 =	sld [smem:$0x3FB0]  }
0x31: {  	[smem:$0x3FB9] =	sst s10  }
0x32: {  	s10 =	sld [smem:$0x3FB7];
	_ =	sdelay $0x3  }
0x33: {  	p0 =	seq.s32 s10, $0x1;
	s10 =	sld [smem:$0x3FB9];
	_ =	sdelay $0x3  }
0x34: {  	[smem:$0x3FB9] =	sst s10  }
0x35: {  	s10 =	sld [smem:$0x3FB8];
	_ =	sdelay $0x3  }
0x36: {  	p1 =	seq.s32 s10, $0x1;
	s10 =	sld [smem:$0x3FB9];
	_ =	sdelay $0x3  }
0x37: {  	[smem:$0x3FB9] =	sst s10  }
0x38: {  	s10 =	sld [smem:$0x3FBA]  }
0x39: {  	_ = 	snop;
	(pc) =	sbr.ind lr, $3  }
0x3a: {  	_ = 	snop  }
0x3b: {  	_ = 	snop  }
0x3c: {  	p2 =	seq.s32 s10, $0x1;
	s10 =	sld [smem:$0x3FB9]  }
0x3d: {  	_ =	shalt  }
0x3e: {  	_ =	shalt  }
0x3f: {  	_ =	shalt  }
0x40: {  	_ =	shalt  }
0x41: {  	_ =	shalt  }
0x42: {  	_ =	shalt  }
0x43: {  	_ =	shalt  }
0x44: {  	_ =	shalt  }
0x45: {  	_ =	shalt  }
0x46: {  	_ =	shalt  }
0x47: {  	_ =	shalt  }
0x48: {  	_ =	shalt  }
0x49: {  	_ =	shalt  }
0x4a: {  	_ =	shalt  }
0x4b: {  	_ =	shalt  }
0x4c: {  	_ =	shalt  }
0x4d: {  	_ =	shalt  }
0x4e: {  	_ =	shalt  }
0x4f: {  	_ =	shalt  }
0x50: {  	_ =	shalt  }
0x51: {  	_ =	shalt  }
0x52: {  	_ =	shalt  }
0x53: {  	_ =	shalt  }
0x54: {  	_ =	shalt  }
0x55: {  	_ =	shalt  }
0x56: {  	_ =	shalt  }
0x57: {  	_ =	shalt  }
0x58: {  	_ =	shalt  }
0x59: {  	_ =	shalt  }
0x5a: {  	_ =	shalt  }
0x5b: {  	_ =	shalt  }
0x5c: {  	_ =	shalt  }
0x5d: {  	_ =	shalt  }
0x5e: {  	_ =	shalt  }
0x5f: {  	_ =	shalt  }
0x60: {  	_ =	shalt  }
0x61: {  	_ =	shalt  }
0x62: {  	_ =	shalt  }
0x63: {  	_ =	shalt  }
0x64: {  	_ =	shalt  }
0x65: {  	_ =	shalt  }
0x66: {  	_ =	shalt  }
0x67: {  	_ =	shalt  }
0x68: {  	_ =	shalt  }
0x69: {  	_ =	shalt  }
0x6a: {  	_ =	shalt  }
0x6b: {  	_ =	shalt  }
0x6c: {  	_ =	shalt  }
0x6d: {  	_ =	shalt  }
0x6e: {  	_ =	shalt  }
0x6f: {  	_ =	shalt  }
0x70: {  	_ =	shalt  }
0x71: {  	_ =	shalt  }
0x72: {  	_ =	shalt  }
0x73: {  	_ =	shalt  }
0x74: {  	_ =	shalt  }
0x75: {  	_ =	shalt  }
0x76: {  	_ =	shalt  }
0x77: {  	_ =	shalt  }
0x78: {  	_ =	shalt  }
0x79: {  	_ =	shalt  }
0x7a: {  	_ =	shalt  }
0x7b: {  	_ =	shalt  }
0x7c: {  	_ =	shalt  }
0x7d: {  	_ =	shalt  }
0x7e: {  	_ =	shalt  }
0x7f: {  	_ =	shalt  }
0x80: {  	_ =	shalt  }
0x81: {  	_ =	shalt  }
0x82: {  	_ =	shalt  }
0x83: {  	_ =	shalt  }
0x84: {  	_ =	shalt  }
0x85: {  	_ =	shalt  }
0x86: {  	_ =	shalt  }
0x87: {  	_ =	shalt  }
.Lfunc_end0:
.L_simem_size_0:
called_computation_lowered:
.L_overlay_start_0:
0x88: {  	s2 =	sld [smem:$0x3FD9]  }
0x89: {  	s3 =	sld [smem:$0x3FFE];
	_ =	sdelay $0x1  }
0x8a: {  	s1 =	srdreg.scid  }
0x8b: {  	s0 =	sand.u32 $0x1, s1  }
0x8c: {  	s17 =	sshll.u32 s0, $0xA;
	s2 =	sadd.s32 s3, s2  }
0x8d: {  	s2 =	sadd.s32 s2, s17  }
0x8e: {  	[smem:$0x3FC5] =	sst s2  }
0x8f: {  	_ = 	snop  }
0x90: {  	s2 =	sld [smem:$0x3FC9]  }
0x91: {  	s18 =	sld [smem:$0x3FD0];
	(tm) =	ssettm $0x1  }
0x92: {  	s4 =	sld [smem:$0x3FFB];
	_ =	sdelay $0x3  }
0x93: {  	_ =	strace s4  }
0x94: {  	s4 =	sld [smem:$0x3FFC];
	_ =	sdelay $0x3  }
0x95: {  	_ =	strace s4  }
0x96: {  	s4 =	sld [smem:$0x3FFD];
	_ =	sdelay $0x3  }
0x97: {  	_ =	strace s4  }
0x98: {  	_ =	strace $0x8FFFFFFF  }
0x99: {  	s19 =	sld [smem:$0x3FDB];
	_ =	sdelay $0x1  }
0x9a: {  	s5 =	simm.s32 $_scs_section_size  }
0x9b: {  	s6 =	simm.s32 $_size__tile_overlayer_lowered;
	s7 =	simm.s32 $_tile_overlayer_lowered  }
0x9c: {  	s22 =	simm.s32 $0x1BFF;
	s21 =	sshll.u32 s7, $0x1;
	s4 =	sadd.s32 s5, s19  }
0x9d: {  	s8 =	simm.s32 $0x0;
	s20 =	sshll.u32 s6, $0x1;
	s6 =	sadd.s32 s21, s4  }
0x9e: {  	[timem:s8], [sflag:s22] =	dma.local [hbm:s6], s20  }
0x9f: {  	_ =	swait.ge [sflag:s22], s20  }
0xa0: {  	s5 =	ssub.s32 $0x0, s20;
	[sflag:s22] =	ssyncset.done $0x0  }
0xa1: {  	[sflag:s22] =	ssyncadd.s32 s5;
	_ =	sdelay $0x1  }
0xa2: {  	s23 =	simm.s32 $0x1B8B  }
0xa3: {  	_ =	swait.ge [sflag:s23], $0x1  }
0xa4: {  	[sflag:s23] =	ssyncset.done $0x0  }
0xa5: {  	s25 =	simm.s32 $0x1B8E;
	s24 =	sld [smem:$0x3FFE];
	[sflag:s23] =	ssyncadd.s32 $0xFFFFFFFF  }
0xa6: {  	s26 =	simm.s32 $execute0_lowered;
	[smem:$0x3FD2] =	sst s25  }
0xa7: {  	s6 =	sshll.u32 s26, $0x1;
	_ =	strace $0x80000046;
	[dreg:$0x1] =	wrdreg $0xFFFFFFFF  }
0xa8: {  	s28 =	simm.s32 $_size_execute0_lowered;
	s4 =	sadd.s32 s4, s6;
	[dreg:$0x0] =	wrdreg $0x0  }
0xa9: {  	s6 =	sshll.u32 s28, $0x1;
	[dreg:$0x2] =	wrdreg s4  }
0xaa: {  	[dreg:$0x3] =	wrdreg s6  }
0xab: {  	[dreg:$0x4] =	wrdreg $0xC0  }
0xac: {  	_ =	task [dreg:s8], $0x5FFFF  }
0xad: {  	[dreg:$0x1] =	wrdreg $0xFFFFFFFF  }
0xae: {  	[dreg:$0x0] =	wrdreg $0x60  }
0xaf: {  	[dreg:$0x2] =	wrdreg s2  }
0xb0: {  	[dreg:$0x3] =	wrdreg s18  }
0xb1: {  	[dreg:$0x4] =	wrdreg s24  }
0xb2: {  	[dreg:$0x5] =	wrdreg $0x0  }
0xb3: {  	[dreg:$0x6] =	wrdreg $0x9  }
0xb4: {  	_ =	task.clear_ibuf [dreg:s8], $0x7FFFF;
	_ =	strace $0x90000046  }
0xb5: {  	s29 =	simm.s32 $0x9;
	_ =	strace $0x80000048  }
0xb6: {  	_ =	swait.ge [sflag:s29], $0x1  }
0xb7: {  	[sflag:s29] =	ssyncadd.s32 $0xFFFFFFFF  }
0xb8: {  	_ =	strace $0x90000048  }
0xb9: {  	_ =	sfence  }
0xba: {  	s30 =	sld [smem:$0x0];
	_ =	sdelay $0x2  }
0xbb: {  	s31 =	sshll.u32 s1, $0xD;
	s1 =	sshrl.u32 s1, $0x2  }
0xbc: {  	s3 =	sand.u32 $0x4000, s31;
	s1 =	sadd.s32 s1, s30  }
0xbd: {  	s0 =	sor.u32 s3, s0;
	s1 =	sshll.u32 s1, $0x11  }
0xbe: {  	s0 =	sor.u32 s1, s0  }
0xbf: {  	s0 =	sadd.s32 $0x8F2B, s0  }
0xc0: {  	[sflag:s0] =	ssyncadd.remote.s32 $0x1  }
0xc1: {  	_ =	sfence.sel $0xFFFF  }
0xc2: {  	[dreg:$0x0] =	wrdreg $0xFFFFFFFF;
	(pc) =	sbr.abs _section_cstart, $3  }
0xc3: {  	[dreg:$0x1] =	wrdreg $0xFFFFFFFF  }
0xc4: {  	_ =	task.clear_ibuf [dreg:s8], $0x2FFFF;
	_ =	strace $0x9FFFFFFF  }
0xc5: {  	(tm) =	ssettm $0x7FFFFFFF  }
tec
execute0_lowered:
.L_overlay_start_1:
0x0: {  	(tag) =	ssettag $0x1  }
0x1: {  	s0 =	rddreg [dreg:$0x0]  }
0x2: {  	s1 =	rddreg [dreg:$0x2]  }
0x3: {  	s3 =	rddreg [dreg:$0x3];
	s11 =	stileid.u32  }
0x4: {  	s2 =	srdreg.scid;
	s4 =	simm.s32 $0x0;
	s12 =	simm.s32 $0x2800  }
0x5: {  	s13 =	simm.s32 $0x3C00;
	s14 =	simm.s32 $0x80;
	s19 =	simm.s32 $0x3400  }
0x6: {  	s20 =	simm.s32 $0x3480;
	s21 =	simm.s32 $0x3500;
	s22 =	simm.s32 $0x3580  }
0x7: {  	s28 =	simm.s32 $0x3800;
	s29 =	simm.s32 $0x3880;
	s30 =	simm.s32 $0x3900  }
0x8: {  	s31 =	simm.s32 $0x3980;
	s15 =	simm.s32 $0x3B80;
	s16 =	simm.s32 $0x1  }
0x9: {  	s17 =	simm.s32 $0x0;
	s5 =	smul.u32 $0x2800, s11;
	s2 =	sand.u32 $0x1, s2  }
0xa: {  	[smem:$0x7FF] =	sst s4;
	s23 =	smul.u32 $0x50000, s11;
	s8 =	sshll.u32 s11, $0x1  }
0xb: {  	s26 =	sshll.u32 s11, $0x6;
	s11 =	simm.s32 $0x2;
	s6 =	smul.u32 $0x28000, s2  }
0xc: {  	_ =	strace $0x80000047;
	s24 =	ssub.s32 $0x2, s2;
	s2 =	sor.u32 s2, s8  }
0xd: {  	s7 =	sadd.s32 s5, s1;
	s25 =	sshrl.u32 s24, $0x1;
	s2 =	smul.u32 $0x280, s2  }
0xe: {  	s5 =	sadd.s32 s5, s6;
	s6 =	sshrl.u32 s23, $0x2;
	s9 =	ssub.s32 s24, s25  }
0xf: {  	s23 =	simm.s32 $0x3600;
	s24 =	simm.s32 $0x3680;
	s25 =	simm.s32 $0x3700  }
0x10: {  	s1 =	sadd.s32 s5, s1;
	s10 =	sadd.s32 s6, s3;
	s5 =	sadd.s32 $0x400, s7  }
0x11: {  	s6 =	sor.u32 $0x1C02, s26;
	s7 =	sadd.s32 s0, s2;
	s9 =	smax.u32 s9, $0x1  }
0x12: {  	s26 =	simm.s32 $0x3780;
	s0 =	simm.s32 $0x3A00;
	s2 =	simm.s32 $0x3B00  }
0x13: {  	s8 =	sadd.s32 $0x28400, s1;
	s10 =	sshrl.u32 s10, $0x3;
	s1 =	simm.s32 $0x3A80  }
.LBB2_1:
0x14: {  	[spmem:s10], [sflag:s6] =	dma.local [hbm:s5], $0x2800  }
0x15: {  	_ =	swait.ge [sflag:s11], $0x2800  }
0x16: {  	[sflag:s11] =	ssyncset.done $0x0  }
0x17: {  	[sflag:s11] =	ssyncadd.s32 $0xFFFFD800  }
0x18: {  	[tilespmem:s12], [sflag:$0x2] =	stream.linear.gather [hbm4b:s7+s4], $0x1400, $0x38;
	[tilespmem:$0x7C00] =	vst v63  }
0x19: {  	_ =	swait.ge [sflag:s11], $0x1400  }
0x1a: {  	[sflag:s11] =	ssyncset.done $0x0  }
0x1b: {  	[sflag:s11] =	ssyncadd.s32 $0xFFFFEC00  }
0x1c: {  	s18 =	rddreg [dreg:$0x1]  }
0x1d: {  	[tilespmem:s13], [sflag:$0x2] =	stream.linear.gather [hbm4b:s18+s4], $0x4000, $0x38;
	[tilespmem:$0x7C00] =	vst v63  }
0x1e: {  	_ =	swait.ge [sflag:s11], $0x4000  }
0x1f: {  	[sflag:s11] =	ssyncset.done $0x0  }
0x20: {  	[sflag:s11] =	ssyncadd.s32 $0xFFFFC000  }
0x21: {  	[bflag:$0x0] =	sbarrier.arrive $0xFFFF  }
0x22: {  	[spmem:s3] =	stream.indirect.scatter.add.f32 [tilespmem:s13], [sflag:$0x1], $0x10, s12, s14, $0xb8;
	[tilespmem:$0x7C00] =	vst v63  }
0x23: {  	s18 =	simm.s32 $0x2880  }
0x24: {  	[spmem:s3] =	stream.indirect.scatter.add.f32 [tilespmem:s13], [sflag:$0x1], $0x10, s18, s14, $0xb8;
	[tilespmem:$0x7C00] =	vst v63  }
0x25: {  	s18 =	simm.s32 $0x2900  }
0x26: {  	[spmem:s3] =	stream.indirect.scatter.add.f32 [tilespmem:s13], [sflag:$0x1], $0x10, s18, s14, $0xb8;
	[tilespmem:$0x7C00] =	vst v63  }
0x27: {  	s18 =	simm.s32 $0x2980  }
0x28: {  	[spmem:s3] =	stream.indirect.scatter.add.f32 [tilespmem:s13], [sflag:$0x1], $0x10, s18, s14, $0xb8;
	[tilespmem:$0x7C00] =	vst v63  }
0x29: {  	s18 =	simm.s32 $0x2A00  }
0x2a: {  	[spmem:s3] =	stream.indirect.scatter.add.f32 [tilespmem:s13], [sflag:$0x1], $0x10, s18, s14, $0xb8;
	[tilespmem:$0x7C00] =	vst v63  }
0x2b: {  	s18 =	simm.s32 $0x2A80  }
0x2c: {  	[spmem:s3] =	stream.indirect.scatter.add.f32 [tilespmem:s13], [sflag:$0x1], $0x10, s18, s14, $0xb8;
	[tilespmem:$0x7C00] =	vst v63  }
0x2d: {  	s18 =	simm.s32 $0x2B00  }
0x2e: {  	[spmem:s3] =	stream.indirect.scatter.add.f32 [tilespmem:s13], [sflag:$0x1], $0x10, s18, s14, $0xb8;
	[tilespmem:$0x7C00] =	vst v63  }
0x2f: {  	s18 =	simm.s32 $0x2B80  }
0x30: {  	[spmem:s3] =	stream.indirect.scatter.add.f32 [tilespmem:s13], [sflag:$0x1], $0x10, s18, s14, $0xb8;
	[tilespmem:$0x7C00] =	vst v63  }
0x31: {  	s18 =	simm.s32 $0x2C00  }
0x32: {  	[spmem:s3] =	stream.indirect.scatter.add.f32 [tilespmem:s13], [sflag:$0x1], $0x10, s18, s14, $0xb8;
	[tilespmem:$0x7C00] =	vst v63  }
0x33: {  	s18 =	simm.s32 $0x2C80  }
0x34: {  	[spmem:s3] =	stream.indirect.scatter.add.f32 [tilespmem:s13], [sflag:$0x1], $0x10, s18, s14, $0xb8;
	[tilespmem:$0x7C00] =	vst v63  }
0x35: {  	s18 =	simm.s32 $0x2D00  }
0x36: {  	[spmem:s3] =	stream.indirect.scatter.add.f32 [tilespmem:s13], [sflag:$0x1], $0x10, s18, s14, $0xb8;
	[tilespmem:$0x7C00] =	vst v63  }
0x37: {  	s18 =	simm.s32 $0x2D80  }
0x38: {  	[spmem:s3] =	stream.indirect.scatter.add.f32 [tilespmem:s13], [sflag:$0x1], $0x10, s18, s14, $0xb8;
	[tilespmem:$0x7C00] =	vst v63  }
0x39: {  	s18 =	simm.s32 $0x2E00  }
0x3a: {  	[spmem:s3] =	stream.indirect.scatter.add.f32 [tilespmem:s13], [sflag:$0x1], $0x10, s18, s14, $0xb8;
	[tilespmem:$0x7C00] =	vst v63  }
0x3b: {  	s18 =	simm.s32 $0x2E80  }
0x3c: {  	[spmem:s3] =	stream.indirect.scatter.add.f32 [tilespmem:s13], [sflag:$0x1], $0x10, s18, s14, $0xb8;
	[tilespmem:$0x7C00] =	vst v63  }
0x3d: {  	s18 =	simm.s32 $0x2F00  }
0x3e: {  	[spmem:s3] =	stream.indirect.scatter.add.f32 [tilespmem:s13], [sflag:$0x1], $0x10, s18, s14, $0xb8;
	[tilespmem:$0x7C00] =	vst v63  }
0x3f: {  	s18 =	simm.s32 $0x2F80  }
0x40: {  	[spmem:s3] =	stream.indirect.scatter.add.f32 [tilespmem:s13], [sflag:$0x1], $0x10, s18, s14, $0xb8;
	[tilespmem:$0x7C00] =	vst v63  }
0x41: {  	s18 =	simm.s32 $0x3000  }
0x42: {  	[spmem:s3] =	stream.indirect.scatter.add.f32 [tilespmem:s13], [sflag:$0x1], $0x10, s18, s14, $0xb8;
	[tilespmem:$0x7C00] =	vst v63  }
0x43: {  	s18 =	simm.s32 $0x3080  }
0x44: {  	[spmem:s3] =	stream.indirect.scatter.add.f32 [tilespmem:s13], [sflag:$0x1], $0x10, s18, s14, $0xb8;
	[tilespmem:$0x7C00] =	vst v63  }
0x45: {  	s18 =	simm.s32 $0x3100  }
0x46: {  	[spmem:s3] =	stream.indirect.scatter.add.f32 [tilespmem:s13], [sflag:$0x1], $0x10, s18, s14, $0xb8;
	[tilespmem:$0x7C00] =	vst v63  }
0x47: {  	s18 =	simm.s32 $0x3180  }
0x48: {  	[spmem:s3] =	stream.indirect.scatter.add.f32 [tilespmem:s13], [sflag:$0x1], $0x10, s18, s14, $0xb8;
	[tilespmem:$0x7C00] =	vst v63  }
0x49: {  	s18 =	simm.s32 $0x3200  }
0x4a: {  	[spmem:s3] =	stream.indirect.scatter.add.f32 [tilespmem:s13], [sflag:$0x1], $0x10, s18, s14, $0xb8;
	[tilespmem:$0x7C00] =	vst v63  }
0x4b: {  	s18 =	simm.s32 $0x3280  }
0x4c: {  	[spmem:s3] =	stream.indirect.scatter.add.f32 [tilespmem:s13], [sflag:$0x1], $0x10, s18, s14, $0xb8;
	[tilespmem:$0x7C00] =	vst v63  }
0x4d: {  	s18 =	simm.s32 $0x3300  }
0x4e: {  	[spmem:s3] =	stream.indirect.scatter.add.f32 [tilespmem:s13], [sflag:$0x1], $0x10, s18, s14, $0xb8;
	[tilespmem:$0x7C00] =	vst v63  }
0x4f: {  	s18 =	simm.s32 $0x3380  }
0x50: {  	[spmem:s3] =	stream.indirect.scatter.add.f32 [tilespmem:s13], [sflag:$0x1], $0x10, s18, s14, $0xb8;
	[tilespmem:$0x7C00] =	vst v63  }
0x51: {  	_ = 	snop  }
0x52: {  	[spmem:s3] =	stream.indirect.scatter.add.f32 [tilespmem:s13], [sflag:$0x1], $0x10, s19, s14, $0xb8;
	[tilespmem:$0x7C00] =	vst v63  }
0x53: {  	_ = 	snop  }
0x54: {  	[spmem:s3] =	stream.indirect.scatter.add.f32 [tilespmem:s13], [sflag:$0x1], $0x10, s20, s14, $0xb8;
	[tilespmem:$0x7C00] =	vst v63  }
0x55: {  	_ = 	snop  }
0x56: {  	[spmem:s3] =	stream.indirect.scatter.add.f32 [tilespmem:s13], [sflag:$0x1], $0x10, s21, s14, $0xb8;
	[tilespmem:$0x7C00] =	vst v63  }
0x57: {  	_ = 	snop  }
0x58: {  	[spmem:s3] =	stream.indirect.scatter.add.f32 [tilespmem:s13], [sflag:$0x1], $0x10, s22, s14, $0xb8;
	[tilespmem:$0x7C00] =	vst v63  }
0x59: {  	_ = 	snop  }
0x5a: {  	[spmem:s3] =	stream.indirect.scatter.add.f32 [tilespmem:s13], [sflag:$0x1], $0x10, s23, s14, $0xb8;
	[tilespmem:$0x7C00] =	vst v63  }
0x5b: {  	_ = 	snop  }
0x5c: {  	[spmem:s3] =	stream.indirect.scatter.add.f32 [tilespmem:s13], [sflag:$0x1], $0x10, s24, s14, $0xb8;
	[tilespmem:$0x7C00] =	vst v63  }
0x5d: {  	_ = 	snop  }
0x5e: {  	[spmem:s3] =	stream.indirect.scatter.add.f32 [tilespmem:s13], [sflag:$0x1], $0x10, s25, s14, $0xb8;
	[tilespmem:$0x7C00] =	vst v63  }
0x5f: {  	_ = 	snop  }
0x60: {  	[spmem:s3] =	stream.indirect.scatter.add.f32 [tilespmem:s13], [sflag:$0x1], $0x10, s26, s14, $0xb8;
	[tilespmem:$0x7C00] =	vst v63  }
0x61: {  	_ = 	snop  }
0x62: {  	[spmem:s3] =	stream.indirect.scatter.add.f32 [tilespmem:s13], [sflag:$0x1], $0x10, s28, s14, $0xb8;
	[tilespmem:$0x7C00] =	vst v63  }
0x63: {  	_ = 	snop  }
0x64: {  	[spmem:s3] =	stream.indirect.scatter.add.f32 [tilespmem:s13], [sflag:$0x1], $0x10, s29, s14, $0xb8;
	[tilespmem:$0x7C00] =	vst v63  }
0x65: {  	_ = 	snop  }
0x66: {  	[spmem:s3] =	stream.indirect.scatter.add.f32 [tilespmem:s13], [sflag:$0x1], $0x10, s30, s14, $0xb8;
	[tilespmem:$0x7C00] =	vst v63  }
0x67: {  	_ = 	snop  }
0x68: {  	[spmem:s3] =	stream.indirect.scatter.add.f32 [tilespmem:s13], [sflag:$0x1], $0x10, s31, s14, $0xb8;
	[tilespmem:$0x7C00] =	vst v63  }
0x69: {  	_ = 	snop  }
0x6a: {  	[spmem:s3] =	stream.indirect.scatter.add.f32 [tilespmem:s13], [sflag:$0x1], $0x10, s0, s14, $0xb8;
	[tilespmem:$0x7C00] =	vst v63  }
0x6b: {  	_ = 	snop  }
0x6c: {  	[spmem:s3] =	stream.indirect.scatter.add.f32 [tilespmem:s13], [sflag:$0x1], $0x10, s1, s14, $0xb8;
	[tilespmem:$0x7C00] =	vst v63  }
0x6d: {  	_ = 	snop  }
0x6e: {  	[spmem:s3] =	stream.indirect.scatter.add.f32 [tilespmem:s13], [sflag:$0x1], $0x10, s2, s14, $0xb8;
	[tilespmem:$0x7C00] =	vst v63  }
0x6f: {  	_ = 	snop  }
0x70: {  	[spmem:s3] =	stream.indirect.scatter.add.f32 [tilespmem:s13], [sflag:$0x1], $0x10, s15, s14, $0xb8;
	[tilespmem:$0x7C00] =	vst v63  }
0x71: {  	_ =	swait.ge [sflag:s16], $0x800  }
0x72: {  	s18 =	simm.s32 $0x27;
	[sflag:s16] =	ssyncset.done $0x0  }
.LBB2_2:
0x73: {  	p0 =	sne.s32 s18, $0x1;
	s18 =	sadd.s32 $0xFFFFFFFF, s18;
	[sflag:s16] =	ssyncadd.s32 $0xFFFFF800  }
.Ltmp0:
0x74: {  	(pc) =	sbr.rel @p0 .LBB2_2-.Ltmp0, $3  }
0x75: {  	_ =	sdelay $0x1  }
0x76: {  	_ =	swait.ge [sflag:s16], $0x800  }
0x77: {  	[sflag:s16] =	ssyncset.done $0x0  }
0x78: {  	s17 =	sadd.s32 $0x1, s17  }
0x79: {  	[sflag:s16] =	ssyncadd.s32 $0xFFFFF800;
	p0 =	sne.s32 s17, s9  }
.Ltmp1:
0x7a: {  	[bflag:$0x0] =	sbarrier.arrive $0xFFFF;
	(pc) =	sbr.rel @p0 .LBB2_1-.Ltmp1, $4  }
0x7b: {  	[hbm:s8], [sflag:s6] =	dma.local [spmem:s10], $0x2800  }
0x7c: {  	_ =	swait.ge [sflag:s11], $0x2800  }
0x7d: {  	[sflag:s11] =	ssyncset.done $0x0  }
0x7e: {  	[sflag:s11] =	ssyncadd.s32 $0xFFFFD800  }
0x7f: {  	_ =	sfence.sel $0x180000  }
0x80: {  	[bflag:$0x0] =	sbarrier.arrive $0xFFFF  }
0x81: {  	_ =	strace $0x90000047  }
0x82: {  	s0 =	stileid.u32;
	[bflag:$0x2] =	sbarrier.arrive $0xFFFF  }
0x83: {  	p0 =	sne.s32 s0, $0x0;
	s0 =	rddreg [dreg:$0x4]  }
0x84: {  	s0 =	sadd.s32 @!p0 $0x100000, s0  }
0x85: {  	[sflag:s0] =	ssyncadd.tile.s32 @!p0 $0x1;
	_ =	shalt  }
.Lfunc_end2:
_tile_overlayer_lowered:
.L_overlay_start_2:
0x86: {  	(tag) =	ssettag $0x2  }
0x87: {  	s0 =	rddreg [dreg:$0x0];
	s2 =	stileid.u32  }
0x88: {  	s1 =	rddreg [dreg:$0x1];
	p0 =	sne.s32 s2, $0x0  }
0x89: {  	s3 =	rddreg [dreg:$0x2];
	[bflag:$0x3] =	sbarrier.arrive $0xFFFF;
	s2 =	simm.s32 @!p0 $0x1C02  }
0x8a: {  	[timem:s3], [sflag:s2] =	dma.local @!p0 [hbm:s0], s1  }
0x8b: {  	s0 =	simm.s32 @!p0 $0x2  }
0x8c: {  	_ =	swait.ge @!p0 [sflag:s0], s1  }
0x8d: {  	s1 =	ssub.s32 @!p0 $0x0, s1;
	[sflag:s0] =	ssyncset.done @!p0 $0x0  }
0x8e: {  	[sflag:s0] =	ssyncadd.s32 @!p0 s1  }
0x8f: {  	[bflag:$0x3] =	sbarrier.arrive $0xFFFF  }
0x90: {  	_ =	shalt  }

</sc_bundles>
